<compile_context>
chip_gen: v7x
topology: tpu7x:2x2x1
jax: 0.10.2.dev20260603
libtpu: 0.0.44.dev20260713+nightly
codegen_flags: <defaults>
</compile_context>

<pallas_src>
import numpy as np

import jax
import jax.numpy as jnp
from jax import lax
from jax.experimental import pallas as pl
from jax.experimental.pallas import tpu as pltpu
from jax.experimental.pallas import tpu_sc as plsc

N = 10000
NFEAT = 128
NHID = 64
NCLASS = 16
NCOMB = NHID + NCLASS

BM = 1280
NB = 8
NPAD = NB * BM
LAST = N - (NB - 1) * BM
NT2 = NB * (NB - 1) // 2


def _call1_body(adj_ref, x_ref, w1_ref, b1_ref, w2_ref, b2_ref,
                outp_ref, hw_out_ref, pw_scr, hacc_scr, diag_scr):
    p = pl.program_id(0)
    c = pl.program_id(1)

    @pl.when((p == 0) & (c == 0))
    def _():
        xw = jnp.dot(x_ref[...], w1_ref[...],
                     preferred_element_type=jnp.float32)
        pw_scr[0:N, 0:NHID] = xw
        pw_scr[:, NHID:NCOMB] = jnp.zeros((NPAD, NCLASS), jnp.float32)

    @pl.when(c < NB - 1)
    def _():
        part = jnp.dot(adj_ref[...], pw_scr[pl.ds(c * BM, BM), :],
                       preferred_element_type=jnp.float32)

        @pl.when(c == 0)
        def _():
            hacc_scr[...] = part

        @pl.when(c > 0)
        def _():
            hacc_scr[...] += part

        @pl.when(c == p)
        def _():
            diag_scr[...] = adj_ref[...]

    @pl.when(c == NB - 1)
    def _():
        hacc_scr[...] += jnp.dot(adj_ref[:, 0:LAST],
                                 pw_scr[pl.ds((NB - 1) * BM, LAST), :],
                                 preferred_element_type=jnp.float32)
        h = jnp.maximum(hacc_scr[:, 0:NHID] + b1_ref[...], 0.0)
        hwp = jnp.dot(h, w2_ref[...], preferred_element_type=jnp.float32)
        pw_scr[pl.ds(p * BM, BM), NHID:NCOMB] = hwp
        hw_out_ref[...] = hwp
        fused = hacc_scr[:, NHID:NCOMB] + b2_ref[...]

        @pl.when(p < NB - 1)
        def _():
            outp_ref[...] = fused + jnp.dot(
                diag_scr[...], hwp, preferred_element_type=jnp.float32)

        @pl.when(p == NB - 1)
        def _():
            outp_ref[...] = fused + jnp.dot(
                adj_ref[:, 0:LAST], hwp[0:LAST, :],
                preferred_element_type=jnp.float32)


_call1 = pl.pallas_call(
    _call1_body,
    grid=(NB, NB),
    in_specs=[
        pl.BlockSpec((BM, BM), lambda p, c: (p, c)),
        pl.BlockSpec((N, NFEAT), lambda p, c: (0, 0)),
        pl.BlockSpec((NFEAT, NHID), lambda p, c: (0, 0)),
        pl.BlockSpec((1, NHID), lambda p, c: (0, 0)),
        pl.BlockSpec((NHID, NCLASS), lambda p, c: (0, 0)),
        pl.BlockSpec((1, NCLASS), lambda p, c: (0, 0)),
    ],
    out_specs=[
        pl.BlockSpec((BM, NCLASS), lambda p, c: (p, 0)),
        pl.BlockSpec((BM, NCLASS), lambda p, c: (p, 0)),
    ],
    out_shape=[
        jax.ShapeDtypeStruct((N, NCLASS), jnp.float32),
        jax.ShapeDtypeStruct((NPAD, NCLASS), jnp.float32),
    ],
    scratch_shapes=[
        pltpu.VMEM((NPAD, NCOMB), jnp.float32),
        pltpu.VMEM((BM, NCOMB), jnp.float32),
        pltpu.VMEM((BM, BM), jnp.float32),
    ],
    compiler_params=pltpu.CompilerParams(
        dimension_semantics=("arbitrary", "arbitrary")),
)

_PU = np.concatenate([np.full(NB - 1 - p, p, np.int32) for p in range(NB - 1)])
_CU = np.concatenate([np.arange(p + 1, NB, dtype=np.int32)
                      for p in range(NB - 1)])


def _call2_body(ptab, ctab, adj_ref, hw_ref, outp_ref, out_ref, acc_scr):
    t = pl.program_id(0)
    p = ptab[t]
    c = ctab[t]

    @pl.when(t == 0)
    def _():
        acc_scr[0:N, :] = outp_ref[...]

    @pl.when(c < NB - 1)
    def _():
        acc_scr[pl.ds(p * BM, BM), :] += jnp.dot(
            adj_ref[...], hw_ref[pl.ds(c * BM, BM), :],
            preferred_element_type=jnp.float32)

    @pl.when(c == NB - 1)
    def _():
        acc_scr[pl.ds(p * BM, BM), :] += jnp.dot(
            adj_ref[:, 0:LAST], hw_ref[pl.ds(c * BM, LAST), :],
            preferred_element_type=jnp.float32)

    @pl.when(t == NT2 - 1)
    def _():
        out_ref[...] = acc_scr[0:N, :]


_call2 = pl.pallas_call(
    _call2_body,
    grid_spec=pltpu.PrefetchScalarGridSpec(
        num_scalar_prefetch=2,
        grid=(NT2,),
        in_specs=[
            pl.BlockSpec((BM, BM), lambda t, pt, ct: (pt[t], ct[t])),
            pl.BlockSpec((NPAD, NCLASS), lambda t, pt, ct: (0, 0)),
            pl.BlockSpec((N, NCLASS), lambda t, pt, ct: (0, 0)),
        ],
        out_specs=pl.BlockSpec((N, NCLASS), lambda t, pt, ct: (0, 0)),
        scratch_shapes=[pltpu.VMEM((NPAD, NCLASS), jnp.float32)],
    ),
    out_shape=jax.ShapeDtypeStruct((N, NCLASS), jnp.float32),
    compiler_params=pltpu.CompilerParams(
        dimension_semantics=("arbitrary",)),
)


def _perm(t, idx):
    dnums = lax.GatherDimensionNumbers(
        offset_dims=(), collapsed_slice_dims=(0,), start_index_map=(0,))
    return lax.gather(t, idx[:, None], dnums, slice_sizes=(1,),
                      mode=lax.GatherScatterMode.PROMISE_IN_BOUNDS)


def _head_body(edge_hbm, emb_flat_hbm, out_hbm, idx_v, a_v, b_v, sig_v, sem):
    c = lax.axis_index("c")
    s = lax.axis_index("s")

    @pl.when((c == 0) & (s == 0))
    def _():
        pltpu.sync_copy(edge_hbm, idx_v)
        ev = idx_v[...]
        lanes = lax.iota(jnp.int32, 16)
        nd1 = _perm(ev, jnp.zeros((16,), jnp.int32))
        nd2 = _perm(ev, jnp.ones((16,), jnp.int32))
        pltpu.async_copy(emb_flat_hbm.at[nd1 * NCLASS + lanes], a_v, sem).wait()
        pltpu.async_copy(emb_flat_hbm.at[nd2 * NCLASS + lanes], b_v, sem).wait()
        t = a_v[...] * b_v[...]
        for shift in (8, 4, 2, 1):
            t = t + _perm(t, (lanes + shift) % 16)
        sig_v[...] = 1.0 / (1.0 + jnp.exp(-t))
        pltpu.sync_copy(sig_v, out_hbm)


def _make_head():
    return pl.kernel(
        _head_body,
        mesh=plsc.VectorSubcoreMesh(core_axis_name="c", subcore_axis_name="s"),
        out_type=jax.ShapeDtypeStruct((16,), jnp.float32),
        scratch_types=[
            pltpu.VMEM((16,), jnp.int32),
            pltpu.VMEM((16,), jnp.float32),
            pltpu.VMEM((16,), jnp.float32),
            pltpu.VMEM((16,), jnp.float32),
            pltpu.SemaphoreType.DMA,
        ],
    )


def kernel(x, adj, train_edge, train_label, W1, b1, W2, b2):
    outp, hw = _call1(adj, x, W1, b1.reshape(1, NHID),
                      W2, b2.reshape(1, NCLASS))
    out = _call2(jnp.asarray(_PU), jnp.asarray(_CU), adj, hw, outp)
    edge16 = jnp.zeros((16,), jnp.int32).at[:2].set(train_edge.astype(jnp.int32))
    sig16 = _make_head()(edge16, out.reshape(N * NCLASS))
    return (out, sig16[0])

# --- scband reference (transcript-rebuilt; emitter-appended) ---
"""Pipeline reference for scband-gcn1-lp-44306882625584 (READ-ONLY COPY).

The authoritative reference and input builder live on the scoring server;
editing this copy changes nothing except your own understanding.
"""

import jax, jax.numpy as jnp
import numpy as np

N = 10000
NFEAT = 128
NHID = 64
NCLASS = 16


def setup_inputs(seed: int = 0) -> dict:
    key = jax.random.key(seed)
    ks = jax.random.split(key, 8)
    x = jax.random.normal(ks[0], (N, NFEAT), dtype=jnp.float32)
    adj = jax.random.uniform(ks[1], (N, N), dtype=jnp.float32)
    train_edge = jax.random.randint(ks[2], (2,), 0, N, dtype=jnp.int64)
    train_label = jax.random.uniform(ks[3], (1,), dtype=jnp.float32)
    # GraphConvolution1 parameters (Kipf-style GCN layer: out = adj @ (x @ W) + b)
    W1 = jax.random.normal(ks[4], (NFEAT, NHID), dtype=jnp.float32) * 0.01
    b1 = jnp.zeros((NHID,), dtype=jnp.float32)
    W2 = jax.random.normal(ks[5], (NHID, NCLASS), dtype=jnp.float32) * 0.01
    b2 = jnp.zeros((NCLASS,), dtype=jnp.float32)
    return {"x": x, "adj": adj, "train_edge": train_edge, "train_label": train_label,
            "W1": W1, "b1": b1, "W2": W2, "b2": b2}


def reference(x, adj, train_edge, train_label, W1, b1, W2, b2):
    # gc1: GraphConvolution1(nfeat, nhid) -> relu
    h = jax.nn.relu(adj @ (x @ W1) + b1)
    # dropout is identity in eval mode
    # gc2: GraphConvolution1(nhid, nclass)
    out = adj @ (h @ W2) + b2
    embed = out
    nd1 = train_edge[0]
    nd2 = train_edge[1]
    mul_a = embed[nd1]
    mul_b = embed[nd2]
    sim0 = jnp.dot(mul_a, mul_b)
    # m is assumed to be nn.Sigmoid()
    sim_train = jax.nn.sigmoid(sim0)
    return (out, sim_train)

if __name__ == "__main__":
    import jax
    _d = setup_inputs()
    print(jax.jit(kernel)(*tuple(_d.values())))

</pallas_src>

<mosaic_0001>
#map = affine_map<(d0, d1) -> (0)>
module attributes {stable_mosaic.version = 14 : i64} {
  func.func @_head_body(%arg0: i32, %arg1: i32, %arg2: memref<16xi32, #tpu.memory_space<hbm>>, %arg3: memref<160000xf32, #tpu.memory_space<hbm>>, %arg4: memref<16xf32, #tpu.memory_space<hbm>>, %arg5: memref<16xi32, #tpu.memory_space<vmem>>, %arg6: memref<16xf32, #tpu.memory_space<vmem>>, %arg7: memref<16xf32, #tpu.memory_space<vmem>>, %arg8: memref<16xf32, #tpu.memory_space<vmem>>, %arg9: memref<!tpu.dma_semaphore, #tpu.memory_space<semaphore_mem>>) attributes {dimension_semantics = [#tpu.dimension_semantics<core_parallel>, #tpu.dimension_semantics<subcore_parallel>], iteration_bounds = array<i64: 2, 16>, scalar_prefetch = 0 : i64, scratch_operands = 5 : i64, tpu.core_type = #tpu.core_type<sc_vector_subcore>, window_params = [{transform_indices = #map}, {transform_indices = #map}, {transform_indices = #map}]} {
    %eq3A = arith.constant 0 : i32
    %eq3A_0 = arith.cmpi eq, %arg0, %eq3A : i32
    %eq3A_1 = arith.constant 0 : i32
    %eq3A_2 = arith.cmpi eq, %arg1, %eq3A_1 : i32
    %and3A = arith.andi %eq3A_0, %eq3A_2 : i1
    %convert_element_type3A = arith.extui %and3A : i1 to i32
    %cond3A = arith.constant 0 : i32
    %cond3A_3 = arith.cmpi ne, %convert_element_type3A, %cond3A : i32
    scf.if %cond3A_3 {
      "tpu.region"() ({
        %run_scoped3A = tpu.sem_alloc : memref<!tpu.dma_semaphore, #tpu.memory_space<semaphore_mem>>
        tpu.enqueue_dma source(%arg2 : memref<16xi32, #tpu.memory_space<hbm>>) target(%arg5 : memref<16xi32, #tpu.memory_space<vmem>>) target_semaphore(%run_scoped3A : memref<!tpu.dma_semaphore, #tpu.memory_space<semaphore_mem>>)
        tpu.wait_dma2 semaphore(%run_scoped3A : memref<!tpu.dma_semaphore, #tpu.memory_space<semaphore_mem>>) src(%arg2 : memref<16xi32, #tpu.memory_space<hbm>>) dst(%arg5 : memref<16xi32, #tpu.memory_space<vmem>>)
        tpu.yield
      }) : () -> ()
      %get3A = arith.constant 0 : index
      %get3A_4 = tpu.vector_load %arg5[%get3A] {strides = array<i32>} : memref<16xi32, #tpu.memory_space<vmem>>, vector<16xi32>,
      %get3A_5 = vector.shape_cast %get3A_4 : vector<16xi32> to vector<16xi32>
      %iota3A = tpu.iota {dimensions = array<i32: 0>} : vector<16xi32>
      %broadcast_in_dim3A = arith.constant 0 : i32
      %broadcast_in_dim3A_6 = vector.broadcast %broadcast_in_dim3A : i32 to vector<16xi32>
      %broadcast_in_dim3A_7 = vector.shape_cast %broadcast_in_dim3A_6 : vector<16xi32> to vector<16x1xi32>
      %gather3A = vector.shape_cast %broadcast_in_dim3A_7 : vector<16x1xi32> to vector<16xi32>
      %gather3A_8 = tpu.dynamic_gather %get3A_5[%gather3A] in [0] : vector<16xi32>, vector<16xi32> -> vector<16xi32>
      %broadcast_in_dim3A_9 = arith.constant 1 : i32
      %broadcast_in_dim3A_10 = vector.broadcast %broadcast_in_dim3A_9 : i32 to vector<16xi32>
      %broadcast_in_dim3A_11 = vector.shape_cast %broadcast_in_dim3A_10 : vector<16xi32> to vector<16x1xi32>
      %gather3A_12 = vector.shape_cast %broadcast_in_dim3A_11 : vector<16x1xi32> to vector<16xi32>
      %gather3A_13 = tpu.dynamic_gather %get3A_5[%gather3A_12] in [0] : vector<16xi32>, vector<16xi32> -> vector<16xi32>
      %mul3A = arith.constant 16 : i32
      %mul3A_14 = vector.broadcast %mul3A : i32 to vector<16xi32>
      %mul3A_15 = arith.muli %gather3A_8, %mul3A_14 : vector<16xi32>
      %add3A = arith.addi %mul3A_15, %iota3A : vector<16xi32>
      %dma_start3A = arith.constant 0 : i32
      %dma_start3A_16 = tpu.memref_slice %arg3[%dma_start3A] : memref<160000xf32, #tpu.memory_space<hbm>> -> memref<160000xf32, #tpu.memory_space<hbm>>
      tpu.enqueue_indirect_dma source(%dma_start3A_16 : memref<160000xf32, #tpu.memory_space<hbm>>) target(%arg6 : memref<16xf32, #tpu.memory_space<vmem>>) offsets(%add3A : vector<16xi32>) semaphore(%arg9 : memref<!tpu.dma_semaphore, #tpu.memory_space<semaphore_mem>>)
      %dma_wait3A = arith.constant 0 : i32
      %dma_wait3A_17 = tpu.memref_slice %arg3[%dma_wait3A] : memref<160000xf32, #tpu.memory_space<hbm>> -> memref<160000xf32, #tpu.memory_space<hbm>>
      tpu.wait_indirect_dma semaphore(%arg9 : memref<!tpu.dma_semaphore, #tpu.memory_space<semaphore_mem>>) src(%dma_wait3A_17 : memref<160000xf32, #tpu.memory_space<hbm>>) dst(%arg6 : memref<16xf32, #tpu.memory_space<vmem>>)
      %mul3A_18 = arith.constant 16 : i32
      %mul3A_19 = vector.broadcast %mul3A_18 : i32 to vector<16xi32>
      %mul3A_20 = arith.muli %gather3A_13, %mul3A_19 : vector<16xi32>
      %add3A_21 = arith.addi %mul3A_20, %iota3A : vector<16xi32>
      %dma_start3A_22 = arith.constant 0 : i32
      %dma_start3A_23 = tpu.memref_slice %arg3[%dma_start3A_22] : memref<160000xf32, #tpu.memory_space<hbm>> -> memref<160000xf32, #tpu.memory_space<hbm>>
      tpu.enqueue_indirect_dma source(%dma_start3A_23 : memref<160000xf32, #tpu.memory_space<hbm>>) target(%arg7 : memref<16xf32, #tpu.memory_space<vmem>>) offsets(%add3A_21 : vector<16xi32>) semaphore(%arg9 : memref<!tpu.dma_semaphore, #tpu.memory_space<semaphore_mem>>)
      %dma_wait3A_24 = arith.constant 0 : i32
      %dma_wait3A_25 = tpu.memref_slice %arg3[%dma_wait3A_24] : memref<160000xf32, #tpu.memory_space<hbm>> -> memref<160000xf32, #tpu.memory_space<hbm>>
      tpu.wait_indirect_dma semaphore(%arg9 : memref<!tpu.dma_semaphore, #tpu.memory_space<semaphore_mem>>) src(%dma_wait3A_25 : memref<160000xf32, #tpu.memory_space<hbm>>) dst(%arg7 : memref<16xf32, #tpu.memory_space<vmem>>)
      %get3A_26 = arith.constant 0 : index
      %get3A_27 = tpu.vector_load %arg6[%get3A_26] {strides = array<i32>} : memref<16xf32, #tpu.memory_space<vmem>>, vector<16xf32>,
      %get3A_28 = vector.shape_cast %get3A_27 : vector<16xf32> to vector<16xf32>
      %get3A_29 = arith.constant 0 : index
      %get3A_30 = tpu.vector_load %arg7[%get3A_29] {strides = array<i32>} : memref<16xf32, #tpu.memory_space<vmem>>, vector<16xf32>,
      %get3A_31 = vector.shape_cast %get3A_30 : vector<16xf32> to vector<16xf32>
      %mul3A_32 = arith.mulf %get3A_28, %get3A_31 : vector<16xf32>
      %add3A_33 = arith.constant 8 : i32
      %add3A_34 = vector.broadcast %add3A_33 : i32 to vector<16xi32>
      %add3A_35 = arith.addi %iota3A, %add3A_34 : vector<16xi32>
      %jit3A = arith.constant 16 : i32
      %eq3A_36 = arith.constant 0 : i32
      %eq3A_37 = arith.cmpi eq, %jit3A, %eq3A_36 : i32
      %jit3A_38 = arith.constant 1 : i32
      %select_n3A = arith.select %eq3A_37, %jit3A_38, %jit3A : i32
      %rem3A = vector.broadcast %select_n3A : i32 to vector<16xi32>
      %rem3A_39 = arith.remsi %add3A_35, %rem3A : vector<16xi32>
      %ne3A = arith.constant 0 : i32
      %ne3A_40 = vector.broadcast %ne3A : i32 to vector<16xi32>
      %ne3A_41 = arith.cmpi ne, %rem3A_39, %ne3A_40 : vector<16xi32>
      %lt3A = arith.constant 0 : i32
      %lt3A_42 = vector.broadcast %lt3A : i32 to vector<16xi32>
      %lt3A_43 = arith.cmpi slt, %rem3A_39, %lt3A_42 : vector<16xi32>
      %lt3A_44 = arith.constant 0 : i32
      %lt3A_45 = arith.cmpi slt, %select_n3A, %lt3A_44 : i32
      %ne3A_46 = vector.broadcast %lt3A_45 : i1 to vector<16xi1>
      %ne3A_47 = vector.broadcast %ne3A_46 : vector<16xi1> to vector<16xi1>
      %ne3A_48 = arith.xori %lt3A_43, %ne3A_47 : vector<16xi1>
      %and3A_49 = arith.andi %ne3A_48, %ne3A_41 : vector<16xi1>
      %add3A_50 = vector.broadcast %select_n3A : i32 to vector<16xi32>
      %add3A_51 = arith.addi %rem3A_39, %add3A_50 : vector<16xi32>
      %select_n3A_52 = arith.select %and3A_49, %add3A_51, %rem3A_39 : vector<16xi1>, vector<16xi32>
      %broadcast_in_dim3A_53 = vector.shape_cast %select_n3A_52 : vector<16xi32> to vector<16x1xi32>
      %gather3A_54 = vector.shape_cast %broadcast_in_dim3A_53 : vector<16x1xi32> to vector<16xi32>
      %gather3A_55 = tpu.dynamic_gather %mul3A_32[%gather3A_54] in [0] : vector<16xf32>, vector<16xi32> -> vector<16xf32>
      %add3A_56 = arith.addf %mul3A_32, %gather3A_55 : vector<16xf32>
      %add3A_57 = arith.constant 4 : i32
      %add3A_58 = vector.broadcast %add3A_57 : i32 to vector<16xi32>
      %add3A_59 = arith.addi %iota3A, %add3A_58 : vector<16xi32>
      %jit3A_60 = arith.constant 16 : i32
      %eq3A_61 = arith.constant 0 : i32
      %eq3A_62 = arith.cmpi eq, %jit3A_60, %eq3A_61 : i32
      %jit3A_63 = arith.constant 1 : i32
      %select_n3A_64 = arith.select %eq3A_62, %jit3A_63, %jit3A_60 : i32
      %rem3A_65 = vector.broadcast %select_n3A_64 : i32 to vector<16xi32>
      %rem3A_66 = arith.remsi %add3A_59, %rem3A_65 : vector<16xi32>
      %ne3A_67 = arith.constant 0 : i32
      %ne3A_68 = vector.broadcast %ne3A_67 : i32 to vector<16xi32>
      %ne3A_69 = arith.cmpi ne, %rem3A_66, %ne3A_68 : vector<16xi32>
      %lt3A_70 = arith.constant 0 : i32
      %lt3A_71 = vector.broadcast %lt3A_70 : i32 to vector<16xi32>
      %lt3A_72 = arith.cmpi slt, %rem3A_66, %lt3A_71 : vector<16xi32>
      %lt3A_73 = arith.constant 0 : i32
      %lt3A_74 = arith.cmpi slt, %select_n3A_64, %lt3A_73 : i32
      %ne3A_75 = vector.broadcast %lt3A_74 : i1 to vector<16xi1>
      %ne3A_76 = vector.broadcast %ne3A_75 : vector<16xi1> to vector<16xi1>
      %ne3A_77 = arith.xori %lt3A_72, %ne3A_76 : vector<16xi1>
      %and3A_78 = arith.andi %ne3A_77, %ne3A_69 : vector<16xi1>
      %add3A_79 = vector.broadcast %select_n3A_64 : i32 to vector<16xi32>
      %add3A_80 = arith.addi %rem3A_66, %add3A_79 : vector<16xi32>
      %select_n3A_81 = arith.select %and3A_78, %add3A_80, %rem3A_66 : vector<16xi1>, vector<16xi32>
      %broadcast_in_dim3A_82 = vector.shape_cast %select_n3A_81 : vector<16xi32> to vector<16x1xi32>
      %gather3A_83 = vector.shape_cast %broadcast_in_dim3A_82 : vector<16x1xi32> to vector<16xi32>
      %gather3A_84 = tpu.dynamic_gather %add3A_56[%gather3A_83] in [0] : vector<16xf32>, vector<16xi32> -> vector<16xf32>
      %add3A_85 = arith.addf %add3A_56, %gather3A_84 : vector<16xf32>
      %add3A_86 = arith.constant 2 : i32
      %add3A_87 = vector.broadcast %add3A_86 : i32 to vector<16xi32>
      %add3A_88 = arith.addi %iota3A, %add3A_87 : vector<16xi32>
      %jit3A_89 = arith.constant 16 : i32
      %eq3A_90 = arith.constant 0 : i32
      %eq3A_91 = arith.cmpi eq, %jit3A_89, %eq3A_90 : i32
      %jit3A_92 = arith.constant 1 : i32
      %select_n3A_93 = arith.select %eq3A_91, %jit3A_92, %jit3A_89 : i32
      %rem3A_94 = vector.broadcast %select_n3A_93 : i32 to vector<16xi32>
      %rem3A_95 = arith.remsi %add3A_88, %rem3A_94 : vector<16xi32>
      %ne3A_96 = arith.constant 0 : i32
      %ne3A_97 = vector.broadcast %ne3A_96 : i32 to vector<16xi32>
      %ne3A_98 = arith.cmpi ne, %rem3A_95, %ne3A_97 : vector<16xi32>
      %lt3A_99 = arith.constant 0 : i32
      %lt3A_100 = vector.broadcast %lt3A_99 : i32 to vector<16xi32>
      %lt3A_101 = arith.cmpi slt, %rem3A_95, %lt3A_100 : vector<16xi32>
      %lt3A_102 = arith.constant 0 : i32
      %lt3A_103 = arith.cmpi slt, %select_n3A_93, %lt3A_102 : i32
      %ne3A_104 = vector.broadcast %lt3A_103 : i1 to vector<16xi1>
      %ne3A_105 = vector.broadcast %ne3A_104 : vector<16xi1> to vector<16xi1>
      %ne3A_106 = arith.xori %lt3A_101, %ne3A_105 : vector<16xi1>
      %and3A_107 = arith.andi %ne3A_106, %ne3A_98 : vector<16xi1>
      %add3A_108 = vector.broadcast %select_n3A_93 : i32 to vector<16xi32>
      %add3A_109 = arith.addi %rem3A_95, %add3A_108 : vector<16xi32>
      %select_n3A_110 = arith.select %and3A_107, %add3A_109, %rem3A_95 : vector<16xi1>, vector<16xi32>
      %broadcast_in_dim3A_111 = vector.shape_cast %select_n3A_110 : vector<16xi32> to vector<16x1xi32>
      %gather3A_112 = vector.shape_cast %broadcast_in_dim3A_111 : vector<16x1xi32> to vector<16xi32>
      %gather3A_113 = tpu.dynamic_gather %add3A_85[%gather3A_112] in [0] : vector<16xf32>, vector<16xi32> -> vector<16xf32>
      %add3A_114 = arith.addf %add3A_85, %gather3A_113 : vector<16xf32>
      %add3A_115 = arith.constant 1 : i32
      %add3A_116 = vector.broadcast %add3A_115 : i32 to vector<16xi32>
      %add3A_117 = arith.addi %iota3A, %add3A_116 : vector<16xi32>
      %jit3A_118 = arith.constant 16 : i32
      %eq3A_119 = arith.constant 0 : i32
      %eq3A_120 = arith.cmpi eq, %jit3A_118, %eq3A_119 : i32
      %jit3A_121 = arith.constant 1 : i32
      %select_n3A_122 = arith.select %eq3A_120, %jit3A_121, %jit3A_118 : i32
      %rem3A_123 = vector.broadcast %select_n3A_122 : i32 to vector<16xi32>
      %rem3A_124 = arith.remsi %add3A_117, %rem3A_123 : vector<16xi32>
      %ne3A_125 = arith.constant 0 : i32
      %ne3A_126 = vector.broadcast %ne3A_125 : i32 to vector<16xi32>
      %ne3A_127 = arith.cmpi ne, %rem3A_124, %ne3A_126 : vector<16xi32>
      %lt3A_128 = arith.constant 0 : i32
      %lt3A_129 = vector.broadcast %lt3A_128 : i32 to vector<16xi32>
      %lt3A_130 = arith.cmpi slt, %rem3A_124, %lt3A_129 : vector<16xi32>
      %lt3A_131 = arith.constant 0 : i32
      %lt3A_132 = arith.cmpi slt, %select_n3A_122, %lt3A_131 : i32
      %ne3A_133 = vector.broadcast %lt3A_132 : i1 to vector<16xi1>
      %ne3A_134 = vector.broadcast %ne3A_133 : vector<16xi1> to vector<16xi1>
      %ne3A_135 = arith.xori %lt3A_130, %ne3A_134 : vector<16xi1>
      %and3A_136 = arith.andi %ne3A_135, %ne3A_127 : vector<16xi1>
      %add3A_137 = vector.broadcast %select_n3A_122 : i32 to vector<16xi32>
      %add3A_138 = arith.addi %rem3A_124, %add3A_137 : vector<16xi32>
      %select_n3A_139 = arith.select %and3A_136, %add3A_138, %rem3A_124 : vector<16xi1>, vector<16xi32>
      %broadcast_in_dim3A_140 = vector.shape_cast %select_n3A_139 : vector<16xi32> to vector<16x1xi32>
      %gather3A_141 = vector.shape_cast %broadcast_in_dim3A_140 : vector<16x1xi32> to vector<16xi32>
      %gather3A_142 = tpu.dynamic_gather %add3A_114[%gather3A_141] in [0] : vector<16xf32>, vector<16xi32> -> vector<16xf32>
      %add3A_143 = arith.addf %add3A_114, %gather3A_142 : vector<16xf32>
      %neg3A = arith.constant 0.000000e+00 : f32
      %neg3A_144 = vector.broadcast %neg3A : f32 to vector<16xf32>
      %neg3A_145 = arith.subf %neg3A_144, %add3A_143 : vector<16xf32>
      %exp3A = math.exp %neg3A_145 : vector<16xf32>
      %add3A_146 = arith.constant 1.000000e+00 : f32
      %add3A_147 = vector.broadcast %add3A_146 : f32 to vector<16xf32>
      %add3A_148 = arith.addf %add3A_147, %exp3A : vector<16xf32>
      %div3A = arith.constant 1.000000e+00 : f32
      %div3A_149 = vector.broadcast %div3A : f32 to vector<16xf32>
      %div3A_150 = arith.divf %div3A_149, %add3A_148 : vector<16xf32>
      %swap3A = arith.constant 0 : index
      %swap3A_151 = tpu.vector_load %arg8[%swap3A] {strides = array<i32>} : memref<16xf32, #tpu.memory_space<vmem>>, vector<16xf32>,
      %swap3A_152 = vector.shape_cast %swap3A_151 : vector<16xf32> to vector<16xf32>
      %swap3A_153 = vector.shape_cast %div3A_150 : vector<16xf32> to vector<16xf32>
      tpu.vector_store %arg8[%swap3A], %swap3A_153 {strides = array<i32>} : memref<16xf32, #tpu.memory_space<vmem>>, vector<16xf32>,
      "tpu.region"() ({
        %run_scoped3A = tpu.sem_alloc : memref<!tpu.dma_semaphore, #tpu.memory_space<semaphore_mem>>
        tpu.enqueue_dma source(%arg8 : memref<16xf32, #tpu.memory_space<vmem>>) target(%arg4 : memref<16xf32, #tpu.memory_space<hbm>>) target_semaphore(%run_scoped3A : memref<!tpu.dma_semaphore, #tpu.memory_space<semaphore_mem>>)
        tpu.wait_dma2 semaphore(%run_scoped3A : memref<!tpu.dma_semaphore, #tpu.memory_space<semaphore_mem>>) src(%arg8 : memref<16xf32, #tpu.memory_space<vmem>>) dst(%arg4 : memref<16xf32, #tpu.memory_space<hbm>>)
        tpu.yield
      }) : () -> ()
    } else {
    }
    return
  }
}

module attributes {stable_mosaic.version = 14 : i64} {
  func.func @_call1_body(%arg0: i32, %arg1: i32, %arg2: memref<1280x1280xf32, #tpu.memory_space<vmem>>, %arg3: memref<10000x128xf32, #tpu.memory_space<vmem>>, %arg4: memref<128x64xf32, #tpu.memory_space<vmem>>, %arg5: memref<1x64xf32, #tpu.memory_space<vmem>>, %arg6: memref<64x16xf32, #tpu.memory_space<vmem>>, %arg7: memref<1x16xf32, #tpu.memory_space<vmem>>, %arg8: memref<1280x16xf32, #tpu.memory_space<vmem>>, %arg9: memref<1280x16xf32, #tpu.memory_space<vmem>>, %arg10: memref<10240x80xf32, #tpu.memory_space<vmem>>, %arg11: memref<1280x80xf32, #tpu.memory_space<vmem>>, %arg12: memref<1280x1280xf32, #tpu.memory_space<vmem>>) attributes {dimension_semantics = [#tpu.dimension_semantics<arbitrary>, #tpu.dimension_semantics<arbitrary>], iteration_bounds = array<i64: 8, 8>, scalar_prefetch = 0 : i64, scratch_operands = 3 : i64, tpu.core_type = #tpu.core_type<tc>, window_params = [{transform_indices = @transform_0, window_bounds = array<i64: 1280, 1280>}, {pipeline_mode = #tpu.pipeline_mode<synchronous>, transform_indices = @transform_1, window_bounds = array<i64: 10000, 128>}, {pipeline_mode = #tpu.pipeline_mode<synchronous>, transform_indices = @transform_2, window_bounds = array<i64: 128, 64>}, {pipeline_mode = #tpu.pipeline_mode<synchronous>, transform_indices = @transform_3, window_bounds = array<i64: 1, 64>}, {pipeline_mode = #tpu.pipeline_mode<synchronous>, transform_indices = @transform_4, window_bounds = array<i64: 64, 16>}, {pipeline_mode = #tpu.pipeline_mode<synchronous>, transform_indices = @transform_5, window_bounds = array<i64: 1, 16>}, {transform_indices = @transform_6, window_bounds = array<i64: 1280, 16>}, {transform_indices = @transform_7, window_bounds = array<i64: 1280, 16>}]} {
    %eq3A = arith.constant 0 : i32
    %eq3A_0 = arith.cmpi eq, %arg0, %eq3A : i32
    %eq3A_1 = arith.constant 0 : i32
    %eq3A_2 = arith.cmpi eq, %arg1, %eq3A_1 : i32
    %and3A = arith.andi %eq3A_0, %eq3A_2 : i1
    %convert_element_type3A = arith.extui %and3A : i1 to i32
    %cond3A = arith.constant 0 : i32
    %cond3A_3 = arith.cmpi ne, %convert_element_type3A, %cond3A : i32
    scf.if %cond3A_3 {
      %get3A = arith.constant 0 : index
      %get3A_13 = arith.constant 0 : index
      %get3A_14 = vector.load %arg3[%get3A, %get3A_13] : memref<10000x128xf32, #tpu.memory_space<vmem>>, vector<10000x128xf32>
      %get3A_15 = arith.constant 0 : index
      %get3A_16 = arith.constant 0 : index
      %get3A_17 = vector.load %arg4[%get3A_15, %get3A_16] : memref<128x64xf32, #tpu.memory_space<vmem>>, vector<128x64xf32>
      %dot_general3A = arith.constant dense<0.000000e+00> : vector<10000x64xf32>
      %dot_general3A_18 = tpu.matmul %get3A_14, %get3A_17, %dot_general3A {dimension_numbers = #tpu.dot_dimension_numbers<[1], [0], [0], [1], [0, 0, 1, 1], [], []>, transpose_lhs_hint = false} : vector<10000x128xf32>, vector<128x64xf32>, vector<10000x64xf32> -> vector<10000x64xf32>
      %swap3A = arith.constant 0 : index
      %swap3A_19 = arith.constant 0 : index
      %swap3A_20 = vector.load %arg10[%swap3A, %swap3A_19] : memref<10240x80xf32, #tpu.memory_space<vmem>>, vector<10000x64xf32>
      tpu.vector_store %arg10[%swap3A, %swap3A_19], %dot_general3A_18 {strides = array<i32>} : memref<10240x80xf32, #tpu.memory_space<vmem>>, vector<10000x64xf32>,
      %broadcast_in_dim3A = arith.constant 0.000000e+00 : f32
      %broadcast_in_dim3A_21 = vector.broadcast %broadcast_in_dim3A : f32 to vector<10240x16xf32>
      %swap3A_22 = arith.constant 0 : index
      %swap3A_23 = arith.constant 64 : index
      %swap3A_24 = vector.load %arg10[%swap3A_22, %swap3A_23] : memref<10240x80xf32, #tpu.memory_space<vmem>>, vector<10240x16xf32>
      tpu.vector_store %arg10[%swap3A_22, %swap3A_23], %broadcast_in_dim3A_21 {strides = array<i32>} : memref<10240x80xf32, #tpu.memory_space<vmem>>, vector<10240x16xf32>,
    } else {
    }
    %lt3A = arith.constant 7 : i32
    %lt3A_4 = arith.cmpi slt, %arg1, %lt3A : i32
    %convert_element_type3A_5 = arith.extui %lt3A_4 : i1 to i32
    %cond3A_6 = arith.constant 0 : i32
    %cond3A_7 = arith.cmpi ne, %convert_element_type3A_5, %cond3A_6 : i32
    scf.if %cond3A_7 {
      %get3A = arith.constant 0 : index
      %get3A_13 = arith.constant 0 : index
      %get3A_14 = vector.load %arg2[%get3A, %get3A_13] : memref<1280x1280xf32, #tpu.memory_space<vmem>>, vector<1280x1280xf32>
      %mul3A = arith.constant 1280 : i32
      %mul3A_15 = arith.muli %arg1, %mul3A : i32
      %get3A_16 = arith.index_cast %mul3A_15 : i32 to index
      %get3A_17 = arith.constant 0 : index
      %get3A_18 = vector.load %arg10[%get3A_16, %get3A_17] : memref<10240x80xf32, #tpu.memory_space<vmem>>, vector<1280x80xf32>
      %dot_general3A = arith.constant dense<0.000000e+00> : vector<1280x80xf32>
      %dot_general3A_19 = tpu.matmul %get3A_14, %get3A_18, %dot_general3A {dimension_numbers = #tpu.dot_dimension_numbers<[1], [0], [0], [1], [0, 0, 1, 1], [], []>, transpose_lhs_hint = false} : vector<1280x1280xf32>, vector<1280x80xf32>, vector<1280x80xf32> -> vector<1280x80xf32>
      %eq3A_20 = arith.constant 0 : i32
      %eq3A_21 = arith.cmpi eq, %arg1, %eq3A_20 : i32
      %convert_element_type3A_22 = arith.extui %eq3A_21 : i1 to i32
      %cond3A_23 = arith.constant 0 : i32
      %cond3A_24 = arith.cmpi ne, %convert_element_type3A_22, %cond3A_23 : i32
      scf.if %cond3A_24 {
        %swap3A = arith.constant 0 : index
        %swap3A_33 = arith.constant 0 : index
        %swap3A_34 = vector.load %arg11[%swap3A, %swap3A_33] : memref<1280x80xf32, #tpu.memory_space<vmem>>, vector<1280x80xf32>
        tpu.vector_store %arg11[%swap3A, %swap3A_33], %dot_general3A_19 {strides = array<i32>} : memref<1280x80xf32, #tpu.memory_space<vmem>>, vector<1280x80xf32>,
      } else {
      }
      %gt3A = arith.constant 0 : i32
      %gt3A_25 = arith.cmpi sgt, %arg1, %gt3A : i32
      %convert_element_type3A_26 = arith.extui %gt3A_25 : i1 to i32
      %cond3A_27 = arith.constant 0 : i32
      %cond3A_28 = arith.cmpi ne, %convert_element_type3A_26, %cond3A_27 : i32
      scf.if %cond3A_28 {
        %get3A_33 = arith.constant 0 : index
        %get3A_34 = arith.constant 0 : index
        %get3A_35 = vector.load %arg11[%get3A_33, %get3A_34] : memref<1280x80xf32, #tpu.memory_space<vmem>>, vector<1280x80xf32>
        %add3A = arith.addf %get3A_35, %dot_general3A_19 : vector<1280x80xf32>
        %swap3A = arith.constant 0 : index
        %swap3A_36 = arith.constant 0 : index
        %swap3A_37 = vector.load %arg11[%swap3A, %swap3A_36] : memref<1280x80xf32, #tpu.memory_space<vmem>>, vector<1280x80xf32>
        tpu.vector_store %arg11[%swap3A, %swap3A_36], %add3A {strides = array<i32>} : memref<1280x80xf32, #tpu.memory_space<vmem>>, vector<1280x80xf32>,
      } else {
      }
      %eq3A_29 = arith.cmpi eq, %arg1, %arg0 : i32
      %convert_element_type3A_30 = arith.extui %eq3A_29 : i1 to i32
      %cond3A_31 = arith.constant 0 : i32
      %cond3A_32 = arith.cmpi ne, %convert_element_type3A_30, %cond3A_31 : i32
      scf.if %cond3A_32 {
        %get3A_33 = arith.constant 0 : index
        %get3A_34 = arith.constant 0 : index
        %get3A_35 = vector.load %arg2[%get3A_33, %get3A_34] : memref<1280x1280xf32, #tpu.memory_space<vmem>>, vector<1280x1280xf32>
        %swap3A = arith.constant 0 : index
        %swap3A_36 = arith.constant 0 : index
        %swap3A_37 = vector.load %arg12[%swap3A, %swap3A_36] : memref<1280x1280xf32, #tpu.memory_space<vmem>>, vector<1280x1280xf32>
        tpu.vector_store %arg12[%swap3A, %swap3A_36], %get3A_35 {strides = array<i32>} : memref<1280x1280xf32, #tpu.memory_space<vmem>>, vector<1280x1280xf32>,
      } else {
      }
    } else {
    }
    %eq3A_8 = arith.constant 7 : i32
    %eq3A_9 = arith.cmpi eq, %arg1, %eq3A_8 : i32
    %convert_element_type3A_10 = arith.extui %eq3A_9 : i1 to i32
    %cond3A_11 = arith.constant 0 : i32
    %cond3A_12 = arith.cmpi ne, %convert_element_type3A_10, %cond3A_11 : i32
    scf.if %cond3A_12 {
      %get3A = arith.constant 0 : index
      %get3A_13 = arith.constant 0 : index
      %get3A_14 = vector.load %arg11[%get3A, %get3A_13] : memref<1280x80xf32, #tpu.memory_space<vmem>>, vector<1280x80xf32>
      %get3A_15 = arith.constant 0 : index
      %get3A_16 = arith.constant 0 : index
      %get3A_17 = vector.load %arg2[%get3A_15, %get3A_16] : memref<1280x1280xf32, #tpu.memory_space<vmem>>, vector<1280x1040xf32>
      %get3A_18 = arith.constant 8960 : index
      %get3A_19 = arith.constant 0 : index
      %get3A_20 = vector.load %arg10[%get3A_18, %get3A_19] : memref<10240x80xf32, #tpu.memory_space<vmem>>, vector<1040x80xf32>
      %dot_general3A = arith.constant dense<0.000000e+00> : vector<1280x80xf32>
      %dot_general3A_21 = tpu.matmul %get3A_17, %get3A_20, %dot_general3A {dimension_numbers = #tpu.dot_dimension_numbers<[1], [0], [0], [1], [0, 0, 1, 1], [], []>, transpose_lhs_hint = false} : vector<1280x1040xf32>, vector<1040x80xf32>, vector<1280x80xf32> -> vector<1280x80xf32>
      %add3A = arith.addf %get3A_14, %dot_general3A_21 : vector<1280x80xf32>
      %swap3A = arith.constant 0 : index
      %swap3A_22 = arith.constant 0 : index
      %swap3A_23 = vector.load %arg11[%swap3A, %swap3A_22] : memref<1280x80xf32, #tpu.memory_space<vmem>>, vector<1280x80xf32>
      tpu.vector_store %arg11[%swap3A, %swap3A_22], %add3A {strides = array<i32>} : memref<1280x80xf32, #tpu.memory_space<vmem>>, vector<1280x80xf32>,
      %get3A_24 = arith.constant 0 : index
      %get3A_25 = arith.constant 0 : index
      %get3A_26 = vector.load %arg11[%get3A_24, %get3A_25] : memref<1280x80xf32, #tpu.memory_space<vmem>>, vector<1280x64xf32>
      %get3A_27 = arith.constant 0 : index
      %get3A_28 = arith.constant 0 : index
      %get3A_29 = vector.load %arg5[%get3A_27, %get3A_28] : memref<1x64xf32, #tpu.memory_space<vmem>>, vector<1x64xf32>
      %add3A_30 = vector.broadcast %get3A_29 : vector<1x64xf32> to vector<1280x64xf32>
      %add3A_31 = arith.addf %get3A_26, %add3A_30 : vector<1280x64xf32>
      %max3A = arith.constant 0.000000e+00 : f32
      %max3A_32 = vector.broadcast %max3A : f32 to vector<1280x64xf32>
      %max3A_33 = arith.maximumf %add3A_31, %max3A_32 : vector<1280x64xf32>
      %get3A_34 = arith.constant 0 : index
      %get3A_35 = arith.constant 0 : index
      %get3A_36 = vector.load %arg6[%get3A_34, %get3A_35] : memref<64x16xf32, #tpu.memory_space<vmem>>, vector<64x16xf32>
      %dot_general3A_37 = arith.constant dense<0.000000e+00> : vector<1280x16xf32>
      %dot_general3A_38 = tpu.matmul %max3A_33, %get3A_36, %dot_general3A_37 {dimension_numbers = #tpu.dot_dimension_numbers<[1], [0], [0], [1], [0, 0, 1, 1], [], []>, transpose_lhs_hint = false} : vector<1280x64xf32>, vector<64x16xf32>, vector<1280x16xf32> -> vector<1280x16xf32>
      %mul3A = arith.constant 1280 : i32
      %mul3A_39 = arith.muli %arg0, %mul3A : i32
      %swap3A_40 = arith.index_cast %mul3A_39 : i32 to index
      %swap3A_41 = arith.constant 64 : index
      %swap3A_42 = vector.load %arg10[%swap3A_40, %swap3A_41] : memref<10240x80xf32, #tpu.memory_space<vmem>>, vector<1280x16xf32>
      tpu.vector_store %arg10[%swap3A_40, %swap3A_41], %dot_general3A_38 {strides = array<i32>} : memref<10240x80xf32, #tpu.memory_space<vmem>>, vector<1280x16xf32>,
      %swap3A_43 = arith.constant 0 : index
      %swap3A_44 = arith.constant 0 : index
      %swap3A_45 = vector.load %arg9[%swap3A_43, %swap3A_44] : memref<1280x16xf32, #tpu.memory_space<vmem>>, vector<1280x16xf32>
      tpu.vector_store %arg9[%swap3A_43, %swap3A_44], %dot_general3A_38 {strides = array<i32>} : memref<1280x16xf32, #tpu.memory_space<vmem>>, vector<1280x16xf32>,
      %get3A_46 = arith.constant 0 : index
      %get3A_47 = arith.constant 64 : index
      %get3A_48 = vector.load %arg11[%get3A_46, %get3A_47] : memref<1280x80xf32, #tpu.memory_space<vmem>>, vector<1280x16xf32>
      %get3A_49 = arith.constant 0 : index
      %get3A_50 = arith.constant 0 : index
      %get3A_51 = vector.load %arg7[%get3A_49, %get3A_50] : memref<1x16xf32, #tpu.memory_space<vmem>>, vector<1x16xf32>
      %add3A_52 = vector.broadcast %get3A_51 : vector<1x16xf32> to vector<1280x16xf32>
      %add3A_53 = arith.addf %get3A_48, %add3A_52 : vector<1280x16xf32>
      %lt3A_54 = arith.constant 7 : i32
      %lt3A_55 = arith.cmpi slt, %arg0, %lt3A_54 : i32
      %convert_element_type3A_56 = arith.extui %lt3A_55 : i1 to i32
      %cond3A_57 = arith.constant 0 : i32
      %cond3A_58 = arith.cmpi ne, %convert_element_type3A_56, %cond3A_57 : i32
      scf.if %cond3A_58 {
        %get3A_64 = arith.constant 0 : index
        %get3A_65 = arith.constant 0 : index
        %get3A_66 = vector.load %arg12[%get3A_64, %get3A_65] : memref<1280x1280xf32, #tpu.memory_space<vmem>>, vector<1280x1280xf32>
        %dot_general3A_67 = arith.constant dense<0.000000e+00> : vector<1280x16xf32>
        %dot_general3A_68 = tpu.matmul %get3A_66, %dot_general3A_38, %dot_general3A_67 {dimension_numbers = #tpu.dot_dimension_numbers<[1], [0], [0], [1], [0, 0, 1, 1], [], []>, transpose_lhs_hint = false} : vector<1280x1280xf32>, vector<1280x16xf32>, vector<1280x16xf32> -> vector<1280x16xf32>
        %add3A_69 = arith.addf %add3A_53, %dot_general3A_68 : vector<1280x16xf32>
        %swap3A_70 = arith.constant 0 : index
        %swap3A_71 = arith.constant 0 : index
        %swap3A_72 = vector.load %arg8[%swap3A_70, %swap3A_71] : memref<1280x16xf32, #tpu.memory_space<vmem>>, vector<1280x16xf32>
        tpu.vector_store %arg8[%swap3A_70, %swap3A_71], %add3A_69 {strides = array<i32>} : memref<1280x16xf32, #tpu.memory_space<vmem>>, vector<1280x16xf32>,
      } else {
      }
      %eq3A_59 = arith.constant 7 : i32
      %eq3A_60 = arith.cmpi eq, %arg0, %eq3A_59 : i32
      %convert_element_type3A_61 = arith.extui %eq3A_60 : i1 to i32
      %cond3A_62 = arith.constant 0 : i32
      %cond3A_63 = arith.cmpi ne, %convert_element_type3A_61, %cond3A_62 : i32
      scf.if %cond3A_63 {
        %get3A_64 = arith.constant 0 : index
        %get3A_65 = arith.constant 0 : index
        %get3A_66 = vector.load %arg2[%get3A_64, %get3A_65] : memref<1280x1280xf32, #tpu.memory_space<vmem>>, vector<1280x1040xf32>
        %slice3A = vector.extract_strided_slice %dot_general3A_38 {offsets = [0, 0], sizes = [1040, 16], strides = [1, 1]} : vector<1280x16xf32> to vector<1040x16xf32>
        %dot_general3A_67 = arith.constant dense<0.000000e+00> : vector<1280x16xf32>
        %dot_general3A_68 = tpu.matmul %get3A_66, %slice3A, %dot_general3A_67 {dimension_numbers = #tpu.dot_dimension_numbers<[1], [0], [0], [1], [0, 0, 1, 1], [], []>, transpose_lhs_hint = false} : vector<1280x1040xf32>, vector<1040x16xf32>, vector<1280x16xf32> -> vector<1280x16xf32>
        %add3A_69 = arith.addf %add3A_53, %dot_general3A_68 : vector<1280x16xf32>
        %swap3A_70 = arith.constant 0 : index
        %swap3A_71 = arith.constant 0 : index
        %swap3A_72 = vector.load %arg8[%swap3A_70, %swap3A_71] : memref<1280x16xf32, #tpu.memory_space<vmem>>, vector<1280x16xf32>
        tpu.vector_store %arg8[%swap3A_70, %swap3A_71], %add3A_69 {strides = array<i32>} : memref<1280x16xf32, #tpu.memory_space<vmem>>, vector<1280x16xf32>,
      } else {
      }
    } else {
    }
    return
  }
  func.func @transform_0(%arg0: i32, %arg1: i32) -> (i32, i32) {
    %c0_i32 = arith.constant 0 : i32
    return %arg0, %arg1 : i32, i32
  }
  func.func @transform_1(%arg0: i32, %arg1: i32) -> (i32, i32) {
    %c0_i32 = arith.constant 0 : i32
    %c0_i32_0 = arith.constant 0 : i32
    %c0_i32_1 = arith.constant 0 : i32
    return %c0_i32, %c0_i32_0 : i32, i32
  }
  func.func @transform_2(%arg0: i32, %arg1: i32) -> (i32, i32) {
    %c0_i32 = arith.constant 0 : i32
    %c0_i32_0 = arith.constant 0 : i32
    %c0_i32_1 = arith.constant 0 : i32
    return %c0_i32, %c0_i32_0 : i32, i32
  }
  func.func @transform_3(%arg0: i32, %arg1: i32) -> (i32, i32) {
    %c0_i32 = arith.constant 0 : i32
    %c0_i32_0 = arith.constant 0 : i32
    %c0_i32_1 = arith.constant 0 : i32
    return %c0_i32, %c0_i32_0 : i32, i32
  }
  func.func @transform_4(%arg0: i32, %arg1: i32) -> (i32, i32) {
    %c0_i32 = arith.constant 0 : i32
    %c0_i32_0 = arith.constant 0 : i32
    %c0_i32_1 = arith.constant 0 : i32
    return %c0_i32, %c0_i32_0 : i32, i32
  }
  func.func @transform_5(%arg0: i32, %arg1: i32) -> (i32, i32) {
    %c0_i32 = arith.constant 0 : i32
    %c0_i32_0 = arith.constant 0 : i32
    %c0_i32_1 = arith.constant 0 : i32
    return %c0_i32, %c0_i32_0 : i32, i32
  }
  func.func @transform_6(%arg0: i32, %arg1: i32) -> (i32, i32) {
    %c0_i32 = arith.constant 0 : i32
    %c0_i32_0 = arith.constant 0 : i32
    return %arg0, %c0_i32 : i32, i32
  }
  func.func @transform_7(%arg0: i32, %arg1: i32) -> (i32, i32) {
    %c0_i32 = arith.constant 0 : i32
    %c0_i32_0 = arith.constant 0 : i32
    return %arg0, %c0_i32 : i32, i32
  }
}

module attributes {stable_mosaic.version = 14 : i64} {
  func.func @_call2_body(%arg0: i32, %arg1: memref<28xi32, #tpu.memory_space<smem>>, %arg2: memref<28xi32, #tpu.memory_space<smem>>, %arg3: memref<1280x1280xf32, #tpu.memory_space<vmem>>, %arg4: memref<10240x16xf32, #tpu.memory_space<vmem>>, %arg5: memref<10000x16xf32, #tpu.memory_space<vmem>>, %arg6: memref<10000x16xf32, #tpu.memory_space<vmem>>, %arg7: memref<10240x16xf32, #tpu.memory_space<vmem>>) attributes {dimension_semantics = [#tpu.dimension_semantics<arbitrary>], iteration_bounds = array<i64: 28>, scalar_prefetch = 2 : i64, scratch_operands = 1 : i64, tpu.core_type = #tpu.core_type<tc>, window_params = [{transform_indices = @transform_0, window_bounds = array<i64: 1280, 1280>}, {pipeline_mode = #tpu.pipeline_mode<synchronous>, transform_indices = @transform_1, window_bounds = array<i64: 10240, 16>}, {pipeline_mode = #tpu.pipeline_mode<synchronous>, transform_indices = @transform_2, window_bounds = array<i64: 10000, 16>}, {pipeline_mode = #tpu.pipeline_mode<synchronous>, transform_indices = @transform_3, window_bounds = array<i64: 10000, 16>}]} {
    %get3A = arith.index_cast %arg0 : i32 to index
    %get3A_0 = memref.load %arg1[%get3A] : memref<28xi32, #tpu.memory_space<smem>>
    %get3A_1 = arith.index_cast %arg0 : i32 to index
    %get3A_2 = memref.load %arg2[%get3A_1] : memref<28xi32, #tpu.memory_space<smem>>
    %eq3A = arith.constant 0 : i32
    %eq3A_3 = arith.cmpi eq, %arg0, %eq3A : i32
    %convert_element_type3A = arith.extui %eq3A_3 : i1 to i32
    %cond3A = arith.constant 0 : i32
    %cond3A_4 = arith.cmpi ne, %convert_element_type3A, %cond3A : i32
    scf.if %cond3A_4 {
      %get3A_19 = arith.constant 0 : index
      %get3A_20 = arith.constant 0 : index
      %get3A_21 = vector.load %arg5[%get3A_19, %get3A_20] : memref<10000x16xf32, #tpu.memory_space<vmem>>, vector<10000x16xf32>
      %swap3A = arith.constant 0 : index
      %swap3A_22 = arith.constant 0 : index
      %swap3A_23 = vector.load %arg7[%swap3A, %swap3A_22] : memref<10240x16xf32, #tpu.memory_space<vmem>>, vector<10000x16xf32>
      tpu.vector_store %arg7[%swap3A, %swap3A_22], %get3A_21 {strides = array<i32>} : memref<10240x16xf32, #tpu.memory_space<vmem>>, vector<10000x16xf32>,
    } else {
    }
    %lt3A = arith.constant 7 : i32
    %lt3A_5 = arith.cmpi slt, %get3A_2, %lt3A : i32
    %convert_element_type3A_6 = arith.extui %lt3A_5 : i1 to i32
    %cond3A_7 = arith.constant 0 : i32
    %cond3A_8 = arith.cmpi ne, %convert_element_type3A_6, %cond3A_7 : i32
    scf.if %cond3A_8 {
      %mul3A = arith.constant 1280 : i32
      %mul3A_19 = arith.muli %get3A_0, %mul3A : i32
      %get3A_20 = arith.index_cast %mul3A_19 : i32 to index
      %get3A_21 = arith.constant 0 : index
      %get3A_22 = vector.load %arg7[%get3A_20, %get3A_21] : memref<10240x16xf32, #tpu.memory_space<vmem>>, vector<1280x16xf32>
      %get3A_23 = arith.constant 0 : index
      %get3A_24 = arith.constant 0 : index
      %get3A_25 = vector.load %arg3[%get3A_23, %get3A_24] : memref<1280x1280xf32, #tpu.memory_space<vmem>>, vector<1280x1280xf32>
      %mul3A_26 = arith.constant 1280 : i32
      %mul3A_27 = arith.muli %get3A_2, %mul3A_26 : i32
      %get3A_28 = arith.index_cast %mul3A_27 : i32 to index
      %get3A_29 = arith.constant 0 : index
      %get3A_30 = vector.load %arg4[%get3A_28, %get3A_29] : memref<10240x16xf32, #tpu.memory_space<vmem>>, vector<1280x16xf32>
      %dot_general3A = arith.constant dense<0.000000e+00> : vector<1280x16xf32>
      %dot_general3A_31 = tpu.matmul %get3A_25, %get3A_30, %dot_general3A {dimension_numbers = #tpu.dot_dimension_numbers<[1], [0], [0], [1], [0, 0, 1, 1], [], []>, transpose_lhs_hint = false} : vector<1280x1280xf32>, vector<1280x16xf32>, vector<1280x16xf32> -> vector<1280x16xf32>
      %add3A = arith.addf %get3A_22, %dot_general3A_31 : vector<1280x16xf32>
      %swap3A = arith.index_cast %mul3A_19 : i32 to index
      %swap3A_32 = arith.constant 0 : index
      %swap3A_33 = vector.load %arg7[%swap3A, %swap3A_32] : memref<10240x16xf32, #tpu.memory_space<vmem>>, vector<1280x16xf32>
      tpu.vector_store %arg7[%swap3A, %swap3A_32], %add3A {strides = array<i32>} : memref<10240x16xf32, #tpu.memory_space<vmem>>, vector<1280x16xf32>,
    } else {
    }
    %eq3A_9 = arith.constant 7 : i32
    %eq3A_10 = arith.cmpi eq, %get3A_2, %eq3A_9 : i32
    %convert_element_type3A_11 = arith.extui %eq3A_10 : i1 to i32
    %cond3A_12 = arith.constant 0 : i32
    %cond3A_13 = arith.cmpi ne, %convert_element_type3A_11, %cond3A_12 : i32
    scf.if %cond3A_13 {
      %mul3A = arith.constant 1280 : i32
      %mul3A_19 = arith.muli %get3A_0, %mul3A : i32
      %get3A_20 = arith.index_cast %mul3A_19 : i32 to index
      %get3A_21 = arith.constant 0 : index
      %get3A_22 = vector.load %arg7[%get3A_20, %get3A_21] : memref<10240x16xf32, #tpu.memory_space<vmem>>, vector<1280x16xf32>
      %get3A_23 = arith.constant 0 : index
      %get3A_24 = arith.constant 0 : index
      %get3A_25 = vector.load %arg3[%get3A_23, %get3A_24] : memref<1280x1280xf32, #tpu.memory_space<vmem>>, vector<1280x1040xf32>
      %mul3A_26 = arith.constant 1280 : i32
      %mul3A_27 = arith.muli %get3A_2, %mul3A_26 : i32
      %get3A_28 = arith.index_cast %mul3A_27 : i32 to index
      %get3A_29 = arith.constant 0 : index
      %get3A_30 = vector.load %arg4[%get3A_28, %get3A_29] : memref<10240x16xf32, #tpu.memory_space<vmem>>, vector<1040x16xf32>
      %dot_general3A = arith.constant dense<0.000000e+00> : vector<1280x16xf32>
      %dot_general3A_31 = tpu.matmul %get3A_25, %get3A_30, %dot_general3A {dimension_numbers = #tpu.dot_dimension_numbers<[1], [0], [0], [1], [0, 0, 1, 1], [], []>, transpose_lhs_hint = false} : vector<1280x1040xf32>, vector<1040x16xf32>, vector<1280x16xf32> -> vector<1280x16xf32>
      %add3A = arith.addf %get3A_22, %dot_general3A_31 : vector<1280x16xf32>
      %swap3A = arith.index_cast %mul3A_19 : i32 to index
      %swap3A_32 = arith.constant 0 : index
      %swap3A_33 = vector.load %arg7[%swap3A, %swap3A_32] : memref<10240x16xf32, #tpu.memory_space<vmem>>, vector<1280x16xf32>
      tpu.vector_store %arg7[%swap3A, %swap3A_32], %add3A {strides = array<i32>} : memref<10240x16xf32, #tpu.memory_space<vmem>>, vector<1280x16xf32>,
    } else {
    }
    %eq3A_14 = arith.constant 27 : i32
    %eq3A_15 = arith.cmpi eq, %arg0, %eq3A_14 : i32
    %convert_element_type3A_16 = arith.extui %eq3A_15 : i1 to i32
    %cond3A_17 = arith.constant 0 : i32
    %cond3A_18 = arith.cmpi ne, %convert_element_type3A_16, %cond3A_17 : i32
    scf.if %cond3A_18 {
      %get3A_19 = arith.constant 0 : index
      %get3A_20 = arith.constant 0 : index
      %get3A_21 = vector.load %arg7[%get3A_19, %get3A_20] : memref<10240x16xf32, #tpu.memory_space<vmem>>, vector<10000x16xf32>
      %swap3A = arith.constant 0 : index
      %swap3A_22 = arith.constant 0 : index
      %swap3A_23 = vector.load %arg6[%swap3A, %swap3A_22] : memref<10000x16xf32, #tpu.memory_space<vmem>>, vector<10000x16xf32>
      tpu.vector_store %arg6[%swap3A, %swap3A_22], %get3A_21 {strides = array<i32>} : memref<10000x16xf32, #tpu.memory_space<vmem>>, vector<10000x16xf32>,
    } else {
    }
    return
  }
  func.func @transform_0(%arg0: i32, %arg1: memref<28xi32, #tpu.memory_space<smem>>, %arg2: memref<28xi32, #tpu.memory_space<smem>>) -> (i32, i32) {
    %get3A = arith.index_cast %arg0 : i32 to index
    %get3A_0 = memref.load %arg1[%get3A] : memref<28xi32, #tpu.memory_space<smem>>
    %get3A_1 = arith.index_cast %arg0 : i32 to index
    %get3A_2 = memref.load %arg2[%get3A_1] : memref<28xi32, #tpu.memory_space<smem>>
    %c0_i32 = arith.constant 0 : i32
    return %get3A_0, %get3A_2 : i32, i32
  }
  func.func @transform_1(%arg0: i32, %arg1: memref<28xi32, #tpu.memory_space<smem>>, %arg2: memref<28xi32, #tpu.memory_space<smem>>) -> (i32, i32) {
    %c0_i32 = arith.constant 0 : i32
    %c0_i32_0 = arith.constant 0 : i32
    %c0_i32_1 = arith.constant 0 : i32
    return %c0_i32, %c0_i32_0 : i32, i32
  }
  func.func @transform_2(%arg0: i32, %arg1: memref<28xi32, #tpu.memory_space<smem>>, %arg2: memref<28xi32, #tpu.memory_space<smem>>) -> (i32, i32) {
    %c0_i32 = arith.constant 0 : i32
    %c0_i32_0 = arith.constant 0 : i32
    %c0_i32_1 = arith.constant 0 : i32
    return %c0_i32, %c0_i32_0 : i32, i32
  }
  func.func @transform_3(%arg0: i32, %arg1: memref<28xi32, #tpu.memory_space<smem>>, %arg2: memref<28xi32, #tpu.memory_space<smem>>) -> (i32, i32) {
    %c0_i32 = arith.constant 0 : i32
    %c0_i32_0 = arith.constant 0 : i32
    %c0_i32_1 = arith.constant 0 : i32
    return %c0_i32, %c0_i32_0 : i32, i32
  }
}

</mosaic_0001>

<sc_bundles>
// kernel: kernel.5.cloned.1.call-start
scs
__scs_entry_jumppad:
0x0: {  	(pc) =	sbr.rel $0x88, $3  }
0x1: {  	(tag) =	ssettag $0x0;
	lr =	simm.s32 $0x1  }
0x2: {  	[smem:$0x3F9A] =	sst lr;
	_ =	strace $0xD0000000  }
0x3: {  	_ = 	snop  }
0x4: {  	_ = 	snop  }
0x5: {  	_ = 	snop  }
0x6: {  	_ = 	snop  }
0x7: {  	_ = 	snop  }
__scs_overlays_trampoline_lowered:
0x8: {  	[smem:$0x3FA9] =	sst s0  }
0x9: {  	[smem:$0x3FAA] =	sst s1  }
0xa: {  	[smem:$0x3FAB] =	sst s2  }
0xb: {  	[smem:$0x3FAC] =	sst s3  }
0xc: {  	[smem:$0x3FAD] =	sst s4  }
0xd: {  	[smem:$0x3FAE] =	sst s5  }
0xe: {  	[smem:$0x3FAF] =	sst s6  }
0xf: {  	[smem:$0x3FB0] =	sst s7  }
0x10: {  	[smem:$0x3FB1] =	sst s8  }
0x11: {  	[smem:$0x3FB2] =	sst s9;
	s0 =	simm.s32 @!p0 $0x0  }
0x12: {  	s1 =	sld [smem:$0x3F98];
	s0 =	simm.s32 @p0 $0x1  }
0x13: {  	[smem:$0x3FB3] =	sst s0;
	s0 =	simm.s32 @!p1 $0x0  }
0x14: {  	s2 =	sld [smem:$0x3F97];
	s0 =	simm.s32 @p1 $0x1  }
0x15: {  	[smem:$0x3FB4] =	sst s0;
	s0 =	simm.s32 @!p2 $0x0  }
0x16: {  	s3 =	sld [smem:$0x3FDB];
	s0 =	simm.s32 @p2 $0x1  }
0x17: {  	s4 =	simm.s32 $0x1BF5;
	[smem:$0x3FB6] =	sst s0  }
0x18: {  	s0 =	sld [smem:$0x3F99];
	_ =	swait.ge [sflag:s4], $0x0  }
0x19: {  	s7 =	sld [smem:$0x3F9A]  }
0x1a: {  	s8 =	sadd.s32 $0xFFFFE003, lr  }
0x1b: {  	s9 =	sadd.s32 $0xFFFFFEF7, lr;
	s5 =	simm.s32 $0xFFFFFFFF;
	p2 =	slt.u32 s8, $0xFFFFF086  }
0x1c: {  	p1 =	slt.u32 s9, $0xF7A;
	s5 =	simm.s32 @!p2 $0x0  }
0x1d: {  	s5 =	simm.s32 @p1 $0x1;
	p0 =	seq.s32 s7, s2  }
0x1e: {  	s7 =	smul.u32 @!p0 $0xF7A, s2;
	p2 =	seq.s32 @!p0 s5, $0x0  }
0x1f: {  	s9 =	smul.u32 $0xF7A, s1;
	s8 =	simm.s32 @!p0 $0x1BF5;
	p2 =	por !p2, p0  }
0x20: {  	[sflag:s8] =	ssyncset.s32 @!p0 $0xFFFFF086;
	s6 =	sadd.s32 @!p0 s3, s7;
	s7 =	simm.s32 @!p0 $0x108  }
0x21: {  	s3 =	sadd.s32 s3, s9;
	s6 =	sadd.s32 @!p0 $0x88, s6;
	s7 =	simm.s32 @p2 $0x1082  }
0x22: {  	[simem:s7], [sflag:s8] =	dma.local @!p0 [hbm:s6], $0xF7A  }
0x23: {  	s9 =	sor.u32 $0xD0000000, s2;
	s6 =	simm.s32 $0x108;
	_ =	swait.ge @!p0 [sflag:s8], $0x0  }
0x24: {  	s3 =	sadd.s32 $0x88, s3;
	s6 =	simm.s32 @!p1 $0x1082;
	[sflag:s4] =	ssyncset.s32 $0xFFFFF086  }
0x25: {  	[simem:s6], [sflag:s4] =	dma.local [hbm:s3], $0xF7A  }
0x26: {  	[smem:$0x3F9A] =	sst s1;
	(tag) =	ssettag s2;
	_ =	strace s9  }
0x27: {  	s1 =	sld [smem:$0x3FAA]  }
0x28: {  	s2 =	sld [smem:$0x3FAB]  }
0x29: {  	s4 =	sld [smem:$0x3FAD]  }
0x2a: {  	p0 =	seq.s32 s5, $0x0;
	s5 =	sld [smem:$0x3FAE]  }
0x2b: {  	s6 =	sld [smem:$0x3FAF]  }
0x2c: {  	s7 =	sld [smem:$0x3FB0]  }
0x2d: {  	s3 =	simm.s32 $0x108;
	s8 =	sld [smem:$0x3FB1]  }
0x2e: {  	s3 =	simm.s32 @!p0 $0x1082;
	s9 =	sld [smem:$0x3FB2]  }
0x2f: {  	lr =	sadd.s32 s0, s3;
	s0 =	sld [smem:$0x3FA9]  }
0x30: {  	s3 =	sld [smem:$0x3FAC]  }
0x31: {  	[smem:$0x3FB5] =	sst s10  }
0x32: {  	s10 =	sld [smem:$0x3FB3];
	_ =	sdelay $0x3  }
0x33: {  	p0 =	seq.s32 s10, $0x1;
	s10 =	sld [smem:$0x3FB5];
	_ =	sdelay $0x3  }
0x34: {  	[smem:$0x3FB5] =	sst s10  }
0x35: {  	s10 =	sld [smem:$0x3FB4];
	_ =	sdelay $0x3  }
0x36: {  	p1 =	seq.s32 s10, $0x1;
	s10 =	sld [smem:$0x3FB5];
	_ =	sdelay $0x3  }
0x37: {  	[smem:$0x3FB5] =	sst s10  }
0x38: {  	s10 =	sld [smem:$0x3FB6]  }
0x39: {  	_ = 	snop;
	(pc) =	sbr.ind lr, $3  }
0x3a: {  	_ = 	snop  }
0x3b: {  	_ = 	snop  }
0x3c: {  	p2 =	seq.s32 s10, $0x1;
	s10 =	sld [smem:$0x3FB5]  }
0x3d: {  	_ =	shalt  }
0x3e: {  	_ =	shalt  }
0x3f: {  	_ =	shalt  }
0x40: {  	_ =	shalt  }
0x41: {  	_ =	shalt  }
0x42: {  	_ =	shalt  }
0x43: {  	_ =	shalt  }
0x44: {  	_ =	shalt  }
0x45: {  	_ =	shalt  }
0x46: {  	_ =	shalt  }
0x47: {  	_ =	shalt  }
0x48: {  	_ =	shalt  }
0x49: {  	_ =	shalt  }
0x4a: {  	_ =	shalt  }
0x4b: {  	_ =	shalt  }
0x4c: {  	_ =	shalt  }
0x4d: {  	_ =	shalt  }
0x4e: {  	_ =	shalt  }
0x4f: {  	_ =	shalt  }
0x50: {  	_ =	shalt  }
0x51: {  	_ =	shalt  }
0x52: {  	_ =	shalt  }
0x53: {  	_ =	shalt  }
0x54: {  	_ =	shalt  }
0x55: {  	_ =	shalt  }
0x56: {  	_ =	shalt  }
0x57: {  	_ =	shalt  }
0x58: {  	_ =	shalt  }
0x59: {  	_ =	shalt  }
0x5a: {  	_ =	shalt  }
0x5b: {  	_ =	shalt  }
0x5c: {  	_ =	shalt  }
0x5d: {  	_ =	shalt  }
0x5e: {  	_ =	shalt  }
0x5f: {  	_ =	shalt  }
0x60: {  	_ =	shalt  }
0x61: {  	_ =	shalt  }
0x62: {  	_ =	shalt  }
0x63: {  	_ =	shalt  }
0x64: {  	_ =	shalt  }
0x65: {  	_ =	shalt  }
0x66: {  	_ =	shalt  }
0x67: {  	_ =	shalt  }
0x68: {  	_ =	shalt  }
0x69: {  	_ =	shalt  }
0x6a: {  	_ =	shalt  }
0x6b: {  	_ =	shalt  }
0x6c: {  	_ =	shalt  }
0x6d: {  	_ =	shalt  }
0x6e: {  	_ =	shalt  }
0x6f: {  	_ =	shalt  }
0x70: {  	_ =	shalt  }
0x71: {  	_ =	shalt  }
0x72: {  	_ =	shalt  }
0x73: {  	_ =	shalt  }
0x74: {  	_ =	shalt  }
0x75: {  	_ =	shalt  }
0x76: {  	_ =	shalt  }
0x77: {  	_ =	shalt  }
0x78: {  	_ =	shalt  }
0x79: {  	_ =	shalt  }
0x7a: {  	_ =	shalt  }
0x7b: {  	_ =	shalt  }
0x7c: {  	_ =	shalt  }
0x7d: {  	_ =	shalt  }
0x7e: {  	_ =	shalt  }
0x7f: {  	_ =	shalt  }
0x80: {  	_ =	shalt  }
0x81: {  	_ =	shalt  }
0x82: {  	_ =	shalt  }
0x83: {  	_ =	shalt  }
0x84: {  	_ =	shalt  }
0x85: {  	_ =	shalt  }
0x86: {  	_ =	shalt  }
0x87: {  	_ =	shalt  }
.Lfunc_end0:
.L_simem_size_0:
called_computation_lowered:
.L_overlay_start_0:
0x88: {  	s2 =	sld [smem:$0x3FD9]  }
0x89: {  	s3 =	sld [smem:$0x3FFE];
	_ =	sdelay $0x1  }
0x8a: {  	s1 =	srdreg.scid  }
0x8b: {  	s0 =	sand.u32 $0x1, s1  }
0x8c: {  	s14 =	sshll.u32 s0, $0xA;
	s2 =	sadd.s32 s3, s2  }
0x8d: {  	s2 =	sadd.s32 s2, s14  }
0x8e: {  	[smem:$0x3FC1] =	sst s2  }
0x8f: {  	_ = 	snop  }
0x90: {  	s2 =	sld [smem:$0x3FD0];
	_ =	sdelay $0x2  }
0x91: {  	s15 =	simm.s32 $0xA;
	s4 =	simm.s32 $0x10  }
0x92: {  	[smem:s4], [sflag:s15] =	dma.local [hbm:s2], $0x1  }
0x93: {  	_ =	swait.eq [sflag:s15], $0x1  }
0x94: {  	[sflag:s15] =	ssyncset.done $0x0  }
0x95: {  	[sflag:s15] =	ssyncadd.s32 $0xFFFFFFFF  }
0x96: {  	s16 =	sld [smem:$0x11];
	(tm) =	ssettm $0x1  }
0x97: {  	s17 =	sld [smem:$0x3FFB];
	_ =	sdelay $0x3  }
0x98: {  	_ =	strace s17  }
0x99: {  	s3 =	sld [smem:$0x3FFC];
	_ =	sdelay $0x3  }
0x9a: {  	_ =	strace s3  }
0x9b: {  	s3 =	sld [smem:$0x3FFD];
	_ =	sdelay $0x3  }
0x9c: {  	_ =	strace s3  }
0x9d: {  	_ =	strace $0x8FFFFFFF  }
0x9e: {  	s18 =	sld [smem:$0x3FDB];
	_ =	sdelay $0x1  }
0x9f: {  	s19 =	simm.s32 $_scs_section_size  }
0xa0: {  	s5 =	simm.s32 $_size__tile_overlayer_lowered;
	s6 =	simm.s32 $_tile_overlayer_lowered  }
0xa1: {  	s22 =	simm.s32 $0x1BFF;
	s21 =	sshll.u32 s6, $0x1;
	s3 =	sadd.s32 s19, s18  }
0xa2: {  	s7 =	simm.s32 $0x0;
	s20 =	sshll.u32 s5, $0x1;
	s5 =	sadd.s32 s21, s3  }
0xa3: {  	[timem:s7], [sflag:s22] =	dma.local [hbm:s5], s20  }
0xa4: {  	_ =	swait.ge [sflag:s22], s20  }
0xa5: {  	s4 =	ssub.s32 $0x0, s20;
	[sflag:s22] =	ssyncset.done $0x0  }
0xa6: {  	[sflag:s22] =	ssyncadd.s32 s4;
	_ =	sdelay $0x1  }
0xa7: {  	s23 =	simm.s32 $0x1B8B  }
0xa8: {  	_ =	swait.ge [sflag:s23], $0x1  }
0xa9: {  	[sflag:s23] =	ssyncset.done $0x0  }
0xaa: {  	s25 =	simm.s32 $0x1B8E;
	s24 =	sld [smem:$0x3FFE];
	[sflag:s23] =	ssyncadd.s32 $0xFFFFFFFF  }
0xab: {  	s26 =	simm.s32 $execute0_lowered;
	[smem:$0x3FD2] =	sst s25  }
0xac: {  	s5 =	sshll.u32 s26, $0x1;
	_ =	strace $0x80000046;
	[dreg:$0x1] =	wrdreg $0xFFFFFFFF  }
0xad: {  	s28 =	simm.s32 $_size_execute0_lowered;
	s3 =	sadd.s32 s3, s5;
	[dreg:$0x0] =	wrdreg $0x0  }
0xae: {  	s5 =	sshll.u32 s28, $0x1;
	[dreg:$0x2] =	wrdreg s3  }
0xaf: {  	[dreg:$0x3] =	wrdreg s5  }
0xb0: {  	[dreg:$0x4] =	wrdreg $0xC0  }
0xb1: {  	_ =	task [dreg:s7], $0x5FFFF  }
0xb2: {  	[dreg:$0x1] =	wrdreg $0xFFFFFFFF  }
0xb3: {  	[dreg:$0x0] =	wrdreg $0x60  }
0xb4: {  	[dreg:$0x2] =	wrdreg s24  }
0xb5: {  	[dreg:$0x3] =	wrdreg s16  }
0xb6: {  	[dreg:$0x4] =	wrdreg $0x9  }
0xb7: {  	_ =	task.clear_ibuf [dreg:s7], $0x5FFFF;
	_ =	strace $0x90000046  }
0xb8: {  	s29 =	simm.s32 $0x9;
	_ =	strace $0x80000048  }
0xb9: {  	_ =	swait.ge [sflag:s29], $0x1  }
0xba: {  	[sflag:s29] =	ssyncadd.s32 $0xFFFFFFFF  }
0xbb: {  	_ =	strace $0x90000048  }
0xbc: {  	_ =	sfence  }
0xbd: {  	s30 =	sld [smem:$0x0];
	_ =	sdelay $0x2  }
0xbe: {  	s31 =	sshll.u32 s1, $0xD;
	s1 =	sshrl.u32 s1, $0x2  }
0xbf: {  	s3 =	sand.u32 $0x4000, s31;
	s1 =	sadd.s32 s1, s30  }
0xc0: {  	s0 =	sor.u32 s3, s0;
	s1 =	sshll.u32 s1, $0x11  }
0xc1: {  	s0 =	sor.u32 s1, s0  }
0xc2: {  	s0 =	sadd.s32 $0x8F2B, s0  }
0xc3: {  	[sflag:s0] =	ssyncadd.remote.s32 $0x1  }
0xc4: {  	_ =	sfence.sel $0xFFFF  }
0xc5: {  	[dreg:$0x0] =	wrdreg $0xFFFFFFFF;
	(pc) =	sbr.abs _section_cstart, $3  }
0xc6: {  	[dreg:$0x1] =	wrdreg $0xFFFFFFFF  }
0xc7: {  	_ =	task.clear_ibuf [dreg:s7], $0x2FFFF;
	_ =	strace $0x9FFFFFFF  }
0xc8: {  	(tm) =	ssettm $0x7FFFFFFF  }
0xc9: {  	_ =	shalt  }
tec
execute0_lowered:
.L_overlay_start_1:
0x0: {  	(tag) =	ssettag $0x1  }
0x1: {  	s0 =	srdreg.scid  }
0x2: {  	s10 =	sand.u32 $0x1, s0;
	s0 =	stileid.u32  }
0x3: {  	s3 =	sor.u32 s0, s10  }
0x4: {  	p0 =	sne.s32 s3, $0x0  }
.Ltmp0:
0x5: {  	_ = 	snop;
	(pc) =	sbr.rel @p0 .LBB2_4-.Ltmp0, $4  }
0x6: {  	_ = 	snop  }
0x7: {  	s6 =	rddreg [dreg:$0x0]  }
0x8: {  	s2 =	rddreg [dreg:$0x1]  }
0x9: {  	s1 =	rddreg [dreg:$0x2];
	_ =	strace $0x80000047  }
0xa: {  	s4 =	sadd.s32 $0x6200, s6;
	s5 =	simm.s32 $0x0;
	s3 =	simm.s32 $0x2  }
0xb: {  	[tilespmem:s5], [sflag:$0x2] =	stream.linear.gather [hbm4b:s4+s5], $0x80, $0x38;
	[tilespmem:$0x200] =	vst v63  }
0xc: {  	_ =	swait.ge [sflag:s3], $0x80  }
0xd: {  	[sflag:s3] =	ssyncset.done $0x0  }
0xe: {  	[sflag:s3] =	ssyncadd.s32 $0xFFFFFF80  }
0xf: {  	v3 =	vld [tilespmem:$0x0];
	_ =	sdelay $0x3  }
0x10: {  	v0 =	vimm.s32 $0x0  }
0x11: {  	v2 =	vperm.xlane v3, v0;
	_ =	sdelay $0x1  }
0x12: {  	v1 =	vlaneseq.u32;
	v4 =	vshll.u32 v2, $0x4  }
0x13: {  	v2 =	vimm.s32 $0x1;
	v4 =	vor.u32 v1, v4  }
0x14: {  	v3 =	vperm.xlane v3, v2;
	_ =	sdelay $0x1  }
0x15: {  	v3 =	vshll.u32 v3, $0x4  }
0x16: {  	s6 =	sadd.s32 $0x1200, s6;
	vm0 =	vmmov $0xffff;
	s7 =	simm.s32 $0x80;
	s8 =	simm.s32 $0x1;
	v3 =	vor.u32 v1, v3  }
0x17: {  	[tilespmem:s7], [sflag:$0x1] =	stream.indirect_vreg.gather [hbm4b:s6+s5], $0x1, v4, vm0, $0xb8;
	[tilespmem:$0x200] =	vst v63  }
0x18: {  	_ =	swait.ge [sflag:s8], $0x10  }
0x19: {  	[sflag:s8] =	ssyncset.done $0x0  }
0x1a: {  	s9 =	simm.s32 $0x100;
	[sflag:s8] =	ssyncadd.s32 $0xFFFFFFF0  }
0x1b: {  	[tilespmem:s9], [sflag:$0x1] =	stream.indirect_vreg.gather [hbm4b:s6+s5], $0x1, v3, vm0, $0xb8;
	[tilespmem:$0x200] =	vst v63  }
0x1c: {  	_ =	swait.ge [sflag:s8], $0x10  }
0x1d: {  	[sflag:s8] =	ssyncset.done $0x0  }
0x1e: {  	[sflag:s8] =	ssyncadd.s32 $0xFFFFFFF0  }
0x1f: {  	v3 =	vimm.s32 $0xFEDCBA98;
	v4 =	vld [tilespmem:$0x80]  }
0x20: {  	v5 =	vimm.s32 $0x76543210;
	v3 =	vunpack.c.l.s4.s8 v3;
	v6 =	vld [tilespmem:$0x100]  }
0x21: {  	v5 =	vunpack.c.l.s4.s8 v5  }
0x22: {  	v3 =	vunpack.c.0.s8.s32 v3  }
0x23: {  	v7 =	vimm.s32 $0x3210FEDC;
	v8 =	vimm.s32 $0xBA987654;
	v5 =	vunpack.c.0.s8.s32 v5  }
0x24: {  	v7 =	vunpack.c.l.s4.s8 v7;
	v8 =	vunpack.c.l.s4.s8 v8;
	v3 =	vand.u32 $0xF, v3  }
0x25: {  	v3 =	vcombine.low v3, v5;
	v5 =	vmul.f32 v6, v4  }
0x26: {  	v4 =	vunpack.c.0.s8.s32 v7;
	v6 =	vunpack.c.0.s8.s32 v8  }
0x27: {  	v7 =	vimm.s32 $0x10FEDCBA;
	v8 =	vimm.s32 $0x98765432;
	v9 =	vperm.xlane v5, v3  }
0x28: {  	v7 =	vunpack.c.l.s4.s8 v7;
	v8 =	vunpack.c.l.s4.s8 v8  }
0x29: {  	v4 =	vcombine.low v6, v4;
	v6 =	vadd.f32 v9, v5  }
0x2a: {  	v5 =	vunpack.c.0.s8.s32 v7;
	v7 =	vunpack.c.0.s8.s32 v8  }
0x2b: {  	v8 =	vperm.xlane v6, v4  }
0x2c: {  	v62 =	vimm.s32 $0x87654321;
	v5 =	vcombine.low v7, v5;
	v7 =	vimm.s32 $0xFEDCBA9  }
0x2d: {  	v9 =	vunpack.c.l.s4.s8 v62;
	v7 =	vunpack.c.l.s4.s8 v7;
	v8 =	vadd.f32 v8, v6;
	_ =	sdelay $0x1  }
0x2e: {  	v6 =	vunpack.c.0.s8.s32 v7;
	v7 =	vunpack.c.0.s8.s32 v9;
	v63 =	vperm.xlane v8, v5;
	_ =	sdelay $0x1  }
0x2f: {  	v6 =	vcombine.low v7, v6;
	v7 =	vadd.f32 v63, v8;
	_ =	sdelay $0x1  }
0x30: {  	v8 =	vperm.xlane v7, v6;
	_ =	sdelay $0x1  }
0x31: {  	v7 =	vadd.f32 v8, v7;
	_ =	sdelay $0x1  }
0x32: {  	v7 =	vsub.f32 $0.0e+00, v7;
	_ =	sdelay $0x1  }
0x33: {  	v7 =	vmul.f32 $1.442695020e+00, v7;
	_ =	sdelay $0x1  }
0x34: {  	(erf) = vpow2.f32 v7;
	_ =	sdelay $0x8  }
0x35: {  	v7 =	vpop (erf)  }
0x36: {  	v7 =	vadd.f32 $1.000000000e+00, v7;
	_ =	sdelay $0x1  }
0x37: {  	(erf) = vrcp.f32 v7;
	_ =	sdelay $0x3  }
0x38: {  	s10 =	ssub.s32 $0x2, s10  }
0x39: {  	s11 =	sshrl.u32 s10, $0x1  }
0x3a: {  	s11 =	ssub.s32 s10, s11  }
0x3b: {  	p0 =	sne.s32 s11, $0x1  }
.Ltmp1:
0x3c: {  	_ = 	snop;
	(pc) =	sbr.rel @!p0 .LBB2_3-.Ltmp1, $4  }
0x3d: {  	v7 =	vpop (erf)  }
0x3e: {  	s10 =	simm.s32 $0x180;
	[tilespmem:$0x180] =	vst v7  }
0x3f: {  	[hbm4b:s2+s5] =	stream.linear.scatter [tilespmem:s10], [sflag:$0x2], $0x80, $0x38;
	[tilespmem:$0x200] =	vst v63  }
0x40: {  	s11 =	sadd.s32 $0xFFFFFFFF, s11;
	_ =	swait.ge [sflag:s3], $0x80  }
.LBB2_2:
0x41: {  	p0 =	sne.s32 s11, $0x1;
	s11 =	sadd.s32 $0xFFFFFFFF, s11;
	[sflag:s3] =	ssyncset.done $0x0  }
0x42: {  	[sflag:s3] =	ssyncadd.s32 $0xFFFFFF80  }
0x43: {  	[tilespmem:s5], [sflag:$0x2] =	stream.linear.gather [hbm4b:s4+s5], $0x80, $0x38;
	[tilespmem:$0x200] =	vst v63  }
0x44: {  	_ =	swait.ge [sflag:s3], $0x80  }
0x45: {  	[sflag:s3] =	ssyncset.done $0x0  }
0x46: {  	[sflag:s3] =	ssyncadd.s32 $0xFFFFFF80  }
0x47: {  	v7 =	vld [tilespmem:$0x0];
	_ =	sdelay $0x4  }
0x48: {  	v8 =	vperm.xlane v7, v0;
	v7 =	vperm.xlane v7, v2;
	_ =	sdelay $0x1  }
0x49: {  	v8 =	vshll.u32 v8, $0x4;
	v7 =	vshll.u32 v7, $0x4  }
0x4a: {  	v8 =	vor.u32 v1, v8;
	_ =	sdelay $0x3  }
0x4b: {  	v7 =	vor.u32 v1, v7  }
0x4c: {  	[tilespmem:s7], [sflag:$0x1] =	stream.indirect_vreg.gather [hbm4b:s6+s5], $0x1, v8, vm0, $0xb8;
	[tilespmem:$0x200] =	vst v63  }
0x4d: {  	_ =	swait.ge [sflag:s8], $0x10  }
0x4e: {  	[sflag:s8] =	ssyncset.done $0x0  }
0x4f: {  	[sflag:s8] =	ssyncadd.s32 $0xFFFFFFF0  }
0x50: {  	[tilespmem:s9], [sflag:$0x1] =	stream.indirect_vreg.gather [hbm4b:s6+s5], $0x1, v7, vm0, $0xb8;
	[tilespmem:$0x200] =	vst v63  }
0x51: {  	_ =	swait.ge [sflag:s8], $0x10  }
0x52: {  	[sflag:s8] =	ssyncset.done $0x0  }
0x53: {  	[sflag:s8] =	ssyncadd.s32 $0xFFFFFFF0  }
0x54: {  	v7 =	vld [tilespmem:$0x80]  }
0x55: {  	v8 =	vld [tilespmem:$0x100];
	_ =	sdelay $0x4  }
0x56: {  	v7 =	vmul.f32 v8, v7;
	_ =	sdelay $0x1  }
0x57: {  	v8 =	vperm.xlane v7, v3;
	_ =	sdelay $0x1  }
0x58: {  	v7 =	vadd.f32 v8, v7;
	_ =	sdelay $0x1  }
0x59: {  	v8 =	vperm.xlane v7, v4;
	_ =	sdelay $0x1  }
0x5a: {  	v7 =	vadd.f32 v8, v7;
	_ =	sdelay $0x1  }
0x5b: {  	v8 =	vperm.xlane v7, v5;
	_ =	sdelay $0x1  }
0x5c: {  	v7 =	vadd.f32 v8, v7;
	_ =	sdelay $0x1  }
0x5d: {  	v8 =	vperm.xlane v7, v6;
	_ =	sdelay $0x1  }
0x5e: {  	v7 =	vadd.f32 v8, v7;
	_ =	sdelay $0x1  }
0x5f: {  	v7 =	vsub.f32 $0.0e+00, v7;
	_ =	sdelay $0x1  }
0x60: {  	v7 =	vmul.f32 $1.442695020e+00, v7;
	_ =	sdelay $0x1  }
0x61: {  	(erf) = vpow2.f32 v7;
	_ =	sdelay $0x8  }
0x62: {  	v7 =	vpop (erf)  }
0x63: {  	v7 =	vadd.f32 $1.000000000e+00, v7;
	_ =	sdelay $0x1  }
0x64: {  	(erf) = vrcp.f32 v7;
	_ =	sdelay $0x7  }
.Ltmp2:
0x65: {  	(pc) =	sbr.rel @p0 .LBB2_2-.Ltmp2, $4  }
0x66: {  	v7 =	vpop (erf)  }
0x67: {  	[tilespmem:$0x180] =	vst v7  }
0x68: {  	[hbm4b:s2+s5] =	stream.linear.scatter [tilespmem:s10], [sflag:$0x2], $0x80, $0x38;
	[tilespmem:$0x200] =	vst v63  }
0x69: {  	_ =	swait.ge [sflag:s3], $0x80  }
.LBB2_3:
0x6a: {  	[sflag:s3] =	ssyncset.done $0x0  }
0x6b: {  	[sflag:s3] =	ssyncadd.s32 $0xFFFFFF80  }
.LBB2_4:
0x6c: {  	_ =	sfence.sel $0x180000  }
0x6d: {  	[bflag:$0x0] =	sbarrier.arrive $0xFFFF  }
0x6e: {  	p0 =	sne.s32 s0, $0x0;
	_ =	strace $0x90000047  }
0x6f: {  	s0 =	sadd.s32 @!p0 $0x100000, s1;
	[bflag:$0x2] =	sbarrier.arrive $0xFFFF  }
0x70: {  	[sflag:s0] =	ssyncadd.tile.s32 @!p0 $0x1;
	_ =	shalt  }
.Lfunc_end2:
_tile_overlayer_lowered:
.L_overlay_start_2:
0x71: {  	(tag) =	ssettag $0x2  }
0x72: {  	s0 =	rddreg [dreg:$0x0];
	s2 =	stileid.u32  }
0x73: {  	s1 =	rddreg [dreg:$0x1];
	p0 =	sne.s32 s2, $0x0  }
0x74: {  	s3 =	rddreg [dreg:$0x2];
	[bflag:$0x3] =	sbarrier.arrive $0xFFFF;
	s2 =	simm.s32 @!p0 $0x1C02  }
0x75: {  	[timem:s3], [sflag:s2] =	dma.local @!p0 [hbm:s0], s1  }
0x76: {  	s0 =	simm.s32 @!p0 $0x2  }
0x77: {  	_ =	swait.ge @!p0 [sflag:s0], s1  }
0x78: {  	s1 =	ssub.s32 @!p0 $0x0, s1;
	[sflag:s0] =	ssyncset.done @!p0 $0x0  }
0x79: {  	[sflag:s0] =	ssyncadd.s32 @!p0 s1  }
0x7a: {  	[bflag:$0x3] =	sbarrier.arrive $0xFFFF  }
0x7b: {  	_ =	shalt  }

</sc_bundles>
